<compile_context>
chip_gen: v7x
topology: tpu7x:2x2x1
jax: 0.10.2.dev20260603
libtpu: 0.0.44.dev20260713+nightly
codegen_flags: <defaults>
</compile_context>

<pallas_src>
import functools
import jax
import jax.numpy as jnp
from jax import lax
from jax.experimental import pallas as pl
from jax.experimental.pallas import tpu as pltpu
from jax.experimental.pallas import tpu_sc as plsc

_B, _L, _E, _D = 4, 128, 256, 16
_NW = 32
_WPG = _NW // _B
_K = 8
_RPW = (_K * _B) // _NW
_TI = 8
_EPS = 1e-8



def _sc_body(ea_hbm, w_hbm, bias_hbm, paths_hbm, out_hbm,
             ea_v, w_v, bias_v, srep_v, buf_a, buf_b, out_v, sem_a, sem_b):
    wid = lax.axis_index("s") * 2 + lax.axis_index("c")
    b = wid // _WPG
    i0 = (wid % _WPG) * _RPW

    pltpu.sync_copy(ea_hbm.at[pl.ds(b * _E * _D, _E * _D)], ea_v)
    pltpu.sync_copy(w_hbm, w_v)
    pltpu.sync_copy(bias_hbm, bias_v)
    wv = w_v[...]
    bv = bias_v[...]

    def s_body(e, carry):
        r = ea_v[pl.ds(e * _D, _D)]
        srep_v[pl.ds(e * 16, 16)] = jnp.full((16,), jnp.sum(r * wv)) + bv
        return carry

    lax.fori_loop(0, _E, s_body, 0)

    iota = lax.iota(jnp.int32, 16)
    jrows = [iota + jb * 16 for jb in range(8)]
    bufs = [buf_a, buf_b]
    sems = [sem_a, sem_b]
    nbuf = 2

    def start(t):
        return pltpu.async_copy(
            paths_hbm.at[b, i0 + t], bufs[t % nbuf], sems[t % nbuf])

    cps = [start(t) for t in range(min(nbuf, _RPW))]
    for t in range(_RPW):
        cps[t % nbuf].wait()
        if t + nbuf < _RPW:
            cps[t % nbuf] = start(t + nbuf)
        buf = bufs[t % nbuf]
        zero = jnp.zeros((16,), jnp.float32)

        def e_body(e, carry):
            ns, ds = carry
            sb = srep_v[pl.ds(e * 16, 16)]
            ev = jnp.full((16,), e, jnp.int32)
            nn = []
            nd = []
            for jb in range(8):
                v = plsc.load_gather(buf, [jrows[jb], ev])
                nn.append(ns[jb] + sb * v)
                nd.append(ds[jb] + v)
            return tuple(nn), tuple(nd)

        ns, ds = lax.fori_loop(
            0, _E, e_body, (tuple([zero] * 8), tuple([zero] * 8)))
        for jb in range(8):
            out_v[pl.ds(t * _L + jb * 16, 16)] = ns[jb] / (ds[jb] + _EPS)

    pltpu.sync_copy(out_v, out_hbm.at[pl.ds((b * _K + i0) * _L, _RPW * _L)])


@jax.jit
def _sc_call(ea_flat, w_flat, bias_vec, edge_paths):
    mesh = plsc.VectorSubcoreMesh(core_axis_name="c", subcore_axis_name="s")
    f = pl.kernel(
        _sc_body,
        out_type=jax.ShapeDtypeStruct((_B * _K * _L,), jnp.float32),
        mesh=mesh,
        compiler_params=pltpu.CompilerParams(
            needs_layout_passes=False, has_side_effects=False),
        cost_estimate=pl.CostEstimate(
            flops=3 * _B * _K * _L * _E,
            transcendentals=0,
            bytes_accessed=4 * _B * _K * _L * _E),
        scratch_types=[
            pltpu.VMEM((_E * _D,), jnp.float32),
            pltpu.VMEM((_D,), jnp.float32),
            pltpu.VMEM((16,), jnp.float32),
            pltpu.VMEM((_E * 16,), jnp.float32),
            pltpu.VMEM((_L, _E), jnp.float32),
            pltpu.VMEM((_L, _E), jnp.float32),
            pltpu.VMEM((_RPW * _L,), jnp.float32),
            pltpu.SemaphoreType.DMA,
            pltpu.SemaphoreType.DMA,
        ],
    )
    return f(ea_flat, w_flat, bias_vec, edge_paths)



def _tc_body(ea_ref, w_ref, b_ref, ep_ref, out_ref):
    s = jnp.sum(ea_ref[0] * w_ref[...], axis=1) + b_ref[0, 0]
    p = ep_ref[0]
    num = jax.lax.dot_general(
        p, s, (((2,), (0,)), ((), ())), preferred_element_type=jnp.float32
    )
    den = jnp.sum(p, axis=2)
    out_ref[0] = num / (den + _EPS)


def _tc_call(edge_attr, edge_paths, W, b):
    ea = edge_attr.reshape(_B, _E, _D)
    wr = W.reshape(1, _D)
    br = b.reshape(1, 1)
    grid = (_B, (_L - _K) // _TI)
    koff = _K // _TI
    return pl.pallas_call(
        _tc_body,
        grid=grid,
        in_specs=[
            pl.BlockSpec((1, _E, _D), lambda bi, ic: (bi, 0, 0)),
            pl.BlockSpec((1, _D), lambda bi, ic: (0, 0)),
            pl.BlockSpec((1, 1), lambda bi, ic: (0, 0)),
            pl.BlockSpec((1, _TI, _L, _E), lambda bi, ic: (bi, ic + koff, 0, 0)),
        ],
        out_specs=pl.BlockSpec((1, _TI, _L), lambda bi, ic: (bi, ic, 0)),
        out_shape=jax.ShapeDtypeStruct((_B, _L - _K, _L), jnp.float32),
    )(ea, wr, br, edge_paths)


def kernel(edge_attr, edge_paths, ptr, W, b):
    nB, nL, _, nE = edge_paths.shape
    out_sc = _sc_call(
        edge_attr.reshape(-1), W.reshape(-1),
        jnp.full((16,), b[0], jnp.float32), edge_paths[:, :_K])
    out_tc = _tc_call(edge_attr, edge_paths, W, b)
    return jnp.concatenate([out_sc.reshape(nB, _K, nL), out_tc], axis=1)

# --- scband reference (transcript-rebuilt; emitter-appended) ---
"""Pipeline reference for scband-edge-encoding-72816875537094 (READ-ONLY COPY).

The authoritative reference and input builder live on the scoring server;
editing this copy changes nothing except your own understanding.
"""

import jax, jax.numpy as jnp
import numpy as np

B, L, E, D = 4, 128, 256, 16

def setup_inputs(seed: int = 0) -> dict:
    key = jax.random.key(seed)
    k1, k2, k3, k4 = jax.random.split(key, 4)
    edge_attr = jax.random.normal(k1, (B * E, D), dtype=jnp.float32)
    # path indicator/weight tensor per graph, batched: [B, L, L, E]; nonnegative like path membership weights
    edge_paths = jax.random.uniform(k2, (B, L, L, E), dtype=jnp.float32)
    # ptr must have uniform stride L so every graph has exactly L nodes (required by the
    # original module: RHS of the slice assignment has shape [L, L])
    ptr = (jnp.arange(B + 1, dtype=jnp.int32) * L).astype(jnp.int32)
    # nn.Linear(edge_dim, 1) parameters
    W = jax.random.normal(k3, (D, 1), dtype=jnp.float32) * (1.0 / np.sqrt(D))
    b = jnp.zeros((1,), dtype=jnp.float32)
    return {"edge_attr": edge_attr, "edge_paths": edge_paths, "ptr": ptr, "W": W, "b": b}

def reference(edge_attr, edge_paths, ptr, W, b):
    lengths = ptr[1:] - ptr[:-1]              # [B], all equal to L by construction
    edge_scores = (edge_attr @ W + b).squeeze(-1)   # [B*E]
    nB, nL, _, nE = edge_paths.shape
    max_a = nL                                # lengths are uniformly L == edge_paths.shape[1]
    # edge_ptr strides are path.shape[2] == E for every graph, so graph idx consumes
    # edge_scores[idx*E : (idx+1)*E]
    scores = edge_scores.reshape(nB, nE)      # [B, E]
    # (scores.expand_as(path) * path).sum(-1) / (path.sum(-1) + 1e-8), vectorized over graphs
    num = jnp.einsum('be,bije->bij', scores, edge_paths)   # [B, L, L]
    den = edge_paths.sum(axis=-1) + 1e-08                  # [B, L, L]
    edge_encoding_matrix = jnp.zeros((nB, max_a, max_a), dtype=jnp.float32)
    idx = jnp.arange(max_a, dtype=lengths.dtype)
    region = (idx[None, :, None] < lengths[:, None, None]) & (idx[None, None, :] < lengths[:, None, None])
    edge_encoding_matrix = jnp.where(region, num / den, edge_encoding_matrix)
    return edge_encoding_matrix

if __name__ == "__main__":
    import jax
    _d = setup_inputs()
    print(jax.jit(kernel)(*tuple(_d.values())))

</pallas_src>

<mosaic_0001>
#map = affine_map<(d0, d1) -> (0)>
#map1 = affine_map<(d0, d1) -> (0, 0, 0, 0)>
module attributes {stable_mosaic.version = 14 : i64} {
  func.func @_sc_body(%arg0: i32, %arg1: i32, %arg2: memref<16384xf32, #tpu.memory_space<hbm>>, %arg3: memref<16xf32, #tpu.memory_space<hbm>>, %arg4: memref<16xf32, #tpu.memory_space<hbm>>, %arg5: memref<4x8x128x256xf32, #tpu.memory_space<hbm>>, %arg6: memref<4096xf32, #tpu.memory_space<hbm>>, %arg7: memref<4096xf32, #tpu.memory_space<vmem>>, %arg8: memref<16xf32, #tpu.memory_space<vmem>>, %arg9: memref<16xf32, #tpu.memory_space<vmem>>, %arg10: memref<4096xf32, #tpu.memory_space<vmem>>, %arg11: memref<128x256xf32, #tpu.memory_space<vmem>>, %arg12: memref<128x256xf32, #tpu.memory_space<vmem>>, %arg13: memref<128xf32, #tpu.memory_space<vmem>>, %arg14: memref<!tpu.dma_semaphore, #tpu.memory_space<semaphore_mem>>, %arg15: memref<!tpu.dma_semaphore, #tpu.memory_space<semaphore_mem>>) attributes {dimension_semantics = [#tpu.dimension_semantics<core_parallel>, #tpu.dimension_semantics<subcore_parallel>], iteration_bounds = array<i64: 2, 16>, scalar_prefetch = 0 : i64, scratch_operands = 9 : i64, tpu.core_type = #tpu.core_type<sc_vector_subcore>, window_params = [{transform_indices = #map}, {transform_indices = #map}, {transform_indices = #map}, {transform_indices = #map1}, {transform_indices = #map}]} {
    %mul3A = arith.constant 2 : i32
    %mul3A_0 = arith.muli %arg1, %mul3A : i32
    %add3A = arith.addi %mul3A_0, %arg0 : i32
    %jit3A = arith.constant 8 : i32
    %div3A = arith.divsi %add3A, %jit3A : i32
    %sign3A = arith.constant 0 : i32
    %sign3A_1 = arith.cmpi sgt, %add3A, %sign3A : i32
    %sign3A_2 = arith.extui %sign3A_1 : i1 to i32
    %sign3A_3 = arith.constant 0 : i32
    %sign3A_4 = arith.cmpi slt, %add3A, %sign3A_3 : i32
    %sign3A_5 = arith.extui %sign3A_4 : i1 to i32
    %sign3A_6 = arith.subi %sign3A_2, %sign3A_5 : i32
    %sign3A_7 = arith.constant 0 : i32
    %sign3A_8 = arith.cmpi sgt, %jit3A, %sign3A_7 : i32
    %sign3A_9 = arith.extui %sign3A_8 : i1 to i32
    %sign3A_10 = arith.constant 0 : i32
    %sign3A_11 = arith.cmpi slt, %jit3A, %sign3A_10 : i32
    %sign3A_12 = arith.extui %sign3A_11 : i1 to i32
    %sign3A_13 = arith.subi %sign3A_9, %sign3A_12 : i32
    %ne3A = arith.cmpi ne, %sign3A_6, %sign3A_13 : i32
    %rem3A = arith.remsi %add3A, %jit3A : i32
    %ne3A_14 = arith.constant 0 : i32
    %ne3A_15 = arith.cmpi ne, %rem3A, %ne3A_14 : i32
    %and3A = arith.andi %ne3A, %ne3A_15 : i1
    %sub3A = arith.constant 1 : i32
    %sub3A_16 = arith.subi %div3A, %sub3A : i32
    %select_n3A = arith.select %and3A, %sub3A_16, %div3A : i32
    %jit3A_17 = arith.constant 8 : i32
    %eq3A = arith.constant 0 : i32
    %eq3A_18 = arith.cmpi eq, %jit3A_17, %eq3A : i32
    %jit3A_19 = arith.constant 1 : i32
    %select_n3A_20 = arith.select %eq3A_18, %jit3A_19, %jit3A_17 : i32
    %rem3A_21 = arith.remsi %add3A, %select_n3A_20 : i32
    %ne3A_22 = arith.constant 0 : i32
    %ne3A_23 = arith.cmpi ne, %rem3A_21, %ne3A_22 : i32
    %lt3A = arith.constant 0 : i32
    %lt3A_24 = arith.cmpi slt, %rem3A_21, %lt3A : i32
    %lt3A_25 = arith.constant 0 : i32
    %lt3A_26 = arith.cmpi slt, %select_n3A_20, %lt3A_25 : i32
    %ne3A_27 = arith.xori %lt3A_24, %lt3A_26 : i1
    %and3A_28 = arith.andi %ne3A_27, %ne3A_23 : i1
    %add3A_29 = arith.addi %rem3A_21, %select_n3A_20 : i32
    %select_n3A_30 = arith.select %and3A_28, %add3A_29, %rem3A_21 : i32
    %mul3A_31 = arith.constant 1 : i32
    %mul3A_32 = arith.muli %select_n3A_30, %mul3A_31 : i32
    %mul3A_33 = arith.constant 256 : i32
    %mul3A_34 = arith.muli %select_n3A, %mul3A_33 : i32
    %mul3A_35 = arith.constant 16 : i32
    %mul3A_36 = arith.muli %mul3A_34, %mul3A_35 : i32
    "tpu.region"() ({
      %run_scoped3A = tpu.sem_alloc : memref<!tpu.dma_semaphore, #tpu.memory_space<semaphore_mem>>
      %dma_start3A_144 = tpu.memref_slice %arg2[%mul3A_36] : memref<16384xf32, #tpu.memory_space<hbm>> -> memref<4096xf32, #tpu.memory_space<hbm>>
      %dma_start3A_145 = tpu.memref_slice %arg2[%mul3A_36] : memref<16384xf32, #tpu.memory_space<hbm>> -> memref<4096xf32, #tpu.memory_space<hbm>>
      tpu.enqueue_dma source(%dma_start3A_145 : memref<4096xf32, #tpu.memory_space<hbm>>) target(%arg7 : memref<4096xf32, #tpu.memory_space<vmem>>) target_semaphore(%run_scoped3A : memref<!tpu.dma_semaphore, #tpu.memory_space<semaphore_mem>>)
      %dma_wait3A_146 = tpu.memref_slice %arg2[%mul3A_36] : memref<16384xf32, #tpu.memory_space<hbm>> -> memref<4096xf32, #tpu.memory_space<hbm>>
      %dma_wait3A_147 = tpu.memref_slice %arg2[%mul3A_36] : memref<16384xf32, #tpu.memory_space<hbm>> -> memref<4096xf32, #tpu.memory_space<hbm>>
      tpu.wait_dma2 semaphore(%run_scoped3A : memref<!tpu.dma_semaphore, #tpu.memory_space<semaphore_mem>>) src(%dma_wait3A_147 : memref<4096xf32, #tpu.memory_space<hbm>>) dst(%arg7 : memref<4096xf32, #tpu.memory_space<vmem>>)
      tpu.yield
    }) : () -> ()
    "tpu.region"() ({
      %run_scoped3A = tpu.sem_alloc : memref<!tpu.dma_semaphore, #tpu.memory_space<semaphore_mem>>
      tpu.enqueue_dma source(%arg3 : memref<16xf32, #tpu.memory_space<hbm>>) target(%arg8 : memref<16xf32, #tpu.memory_space<vmem>>) target_semaphore(%run_scoped3A : memref<!tpu.dma_semaphore, #tpu.memory_space<semaphore_mem>>)
      tpu.wait_dma2 semaphore(%run_scoped3A : memref<!tpu.dma_semaphore, #tpu.memory_space<semaphore_mem>>) src(%arg3 : memref<16xf32, #tpu.memory_space<hbm>>) dst(%arg8 : memref<16xf32, #tpu.memory_space<vmem>>)
      tpu.yield
    }) : () -> ()
    "tpu.region"() ({
      %run_scoped3A = tpu.sem_alloc : memref<!tpu.dma_semaphore, #tpu.memory_space<semaphore_mem>>
      tpu.enqueue_dma source(%arg4 : memref<16xf32, #tpu.memory_space<hbm>>) target(%arg9 : memref<16xf32, #tpu.memory_space<vmem>>) target_semaphore(%run_scoped3A : memref<!tpu.dma_semaphore, #tpu.memory_space<semaphore_mem>>)
      tpu.wait_dma2 semaphore(%run_scoped3A : memref<!tpu.dma_semaphore, #tpu.memory_space<semaphore_mem>>) src(%arg4 : memref<16xf32, #tpu.memory_space<hbm>>) dst(%arg9 : memref<16xf32, #tpu.memory_space<vmem>>)
      tpu.yield
    }) : () -> ()
    %get3A = arith.constant 0 : index
    %get3A_37 = tpu.vector_load %arg8[%get3A] {strides = array<i32>} : memref<16xf32, #tpu.memory_space<vmem>>, vector<16xf32>,
    %get3A_38 = arith.constant 0 : index
    %get3A_39 = tpu.vector_load %arg9[%get3A_38] {strides = array<i32>} : memref<16xf32, #tpu.memory_space<vmem>>, vector<16xf32>,
    %scan3A = arith.constant 0 : i32
    %scan3A_40 = arith.constant 0 : i32
    %scan3A_41 = arith.constant 256 : i32
    %scan3A_42 = arith.addi %scan3A_40, %scan3A_41 : i32
    %scan3A_43 = arith.constant 1 : i32
    scf.for %scan3A_144 = %scan3A_40 to %scan3A_42 step %scan3A_43  : i32 {
      %mul3A_145 = arith.constant 16 : i32
      %mul3A_146 = arith.muli %scan3A_144, %mul3A_145 : i32
      %get3A_147 = arith.index_cast %mul3A_146 : i32 to index
      %get3A_148 = tpu.vector_load %arg7[%get3A_147] {strides = array<i32>} : memref<4096xf32, #tpu.memory_space<vmem>>, vector<16xf32>,
      %mul3A_149 = arith.mulf %get3A_148, %get3A_37 : vector<16xf32>
      %reduce_sum3A = arith.constant true
      %reduce_sum3A_150 = vector.broadcast %reduce_sum3A : i1 to vector<16xi1>
      %reduce_sum3A_151 = tpu.scan <sum>, %mul3A_149 masked %reduce_sum3A_150 : vector<16xf32>, vector<16xi1> -> vector<16xf32>
      %reduce_sum3A_152 = vector.extract %reduce_sum3A_151[15] : f32 from vector<16xf32>
      %broadcast_in_dim3A_153 = vector.broadcast %reduce_sum3A_152 : f32 to vector<16xf32>
      %add3A_154 = arith.addf %broadcast_in_dim3A_153, %get3A_39 : vector<16xf32>
      %mul3A_155 = arith.constant 16 : i32
      %mul3A_156 = arith.muli %scan3A_144, %mul3A_155 : i32
      %swap3A_157 = arith.index_cast %mul3A_156 : i32 to index
      %swap3A_158 = tpu.vector_load %arg10[%swap3A_157] {strides = array<i32>} : memref<4096xf32, #tpu.memory_space<vmem>>, vector<16xf32>,
      tpu.vector_store %arg10[%swap3A_157], %add3A_154 {strides = array<i32>} : memref<4096xf32, #tpu.memory_space<vmem>>, vector<16xf32>,
    }
    %scan3A_44 = arith.constant 256 : i32
    %iota3A = tpu.iota {dimensions = array<i32: 0>} : vector<16xi32>
    %add3A_45 = arith.constant 0 : i32
    %add3A_46 = vector.broadcast %add3A_45 : i32 to vector<16xi32>
    %add3A_47 = arith.addi %iota3A, %add3A_46 : vector<16xi32>
    %add3A_48 = arith.constant 16 : i32
    %add3A_49 = vector.broadcast %add3A_48 : i32 to vector<16xi32>
    %add3A_50 = arith.addi %iota3A, %add3A_49 : vector<16xi32>
    %add3A_51 = arith.constant 32 : i32
    %add3A_52 = vector.broadcast %add3A_51 : i32 to vector<16xi32>
    %add3A_53 = arith.addi %iota3A, %add3A_52 : vector<16xi32>
    %add3A_54 = arith.constant 48 : i32
    %add3A_55 = vector.broadcast %add3A_54 : i32 to vector<16xi32>
    %add3A_56 = arith.addi %iota3A, %add3A_55 : vector<16xi32>
    %add3A_57 = arith.constant 64 : i32
    %add3A_58 = vector.broadcast %add3A_57 : i32 to vector<16xi32>
    %add3A_59 = arith.addi %iota3A, %add3A_58 : vector<16xi32>
    %add3A_60 = arith.constant 80 : i32
    %add3A_61 = vector.broadcast %add3A_60 : i32 to vector<16xi32>
    %add3A_62 = arith.addi %iota3A, %add3A_61 : vector<16xi32>
    %add3A_63 = arith.constant 96 : i32
    %add3A_64 = vector.broadcast %add3A_63 : i32 to vector<16xi32>
    %add3A_65 = arith.addi %iota3A, %add3A_64 : vector<16xi32>
    %add3A_66 = arith.constant 112 : i32
    %add3A_67 = vector.broadcast %add3A_66 : i32 to vector<16xi32>
    %add3A_68 = arith.addi %iota3A, %add3A_67 : vector<16xi32>
    %add3A_69 = arith.constant 0 : i32
    %add3A_70 = arith.addi %mul3A_32, %add3A_69 : i32
    %dma_start3A = arith.constant 0 : i32
    %dma_start3A_71 = arith.constant 0 : i32
    %dma_start3A_72 = tpu.memref_slice %arg5[%select_n3A, %add3A_70, %dma_start3A, %dma_start3A_71] : memref<4x8x128x256xf32, #tpu.memory_space<hbm>> -> memref<1x1x128x256xf32, #tpu.memory_space<hbm>>
    %dma_start3A_73 = tpu.memref_squeeze %dma_start3A_72 : memref<1x1x128x256xf32, #tpu.memory_space<hbm>> -> memref<128x256xf32, #tpu.memory_space<hbm>>
    %dma_start3A_74 = arith.constant 0 : i32
    %dma_start3A_75 = arith.constant 0 : i32
    %dma_start3A_76 = tpu.memref_slice %arg5[%select_n3A, %add3A_70, %dma_start3A_74, %dma_start3A_75] : memref<4x8x128x256xf32, #tpu.memory_space<hbm>> -> memref<1x1x128x256xf32, #tpu.memory_space<hbm>>
    %dma_start3A_77 = tpu.memref_squeeze %dma_start3A_76 : memref<1x1x128x256xf32, #tpu.memory_space<hbm>> -> memref<128x256xf32, #tpu.memory_space<hbm>>
    tpu.enqueue_dma source(%dma_start3A_77 : memref<128x256xf32, #tpu.memory_space<hbm>>) target(%arg11 : memref<128x256xf32, #tpu.memory_space<vmem>>) target_semaphore(%arg14 : memref<!tpu.dma_semaphore, #tpu.memory_space<semaphore_mem>>)
    %dma_wait3A = arith.constant 0 : i32
    %dma_wait3A_78 = arith.constant 0 : i32
    %dma_wait3A_79 = tpu.memref_slice %arg5[%select_n3A, %add3A_70, %dma_wait3A, %dma_wait3A_78] : memref<4x8x128x256xf32, #tpu.memory_space<hbm>> -> memref<1x1x128x256xf32, #tpu.memory_space<hbm>>
    %dma_wait3A_80 = tpu.memref_squeeze %dma_wait3A_79 : memref<1x1x128x256xf32, #tpu.memory_space<hbm>> -> memref<128x256xf32, #tpu.memory_space<hbm>>
    %dma_wait3A_81 = arith.constant 0 : i32
    %dma_wait3A_82 = arith.constant 0 : i32
    %dma_wait3A_83 = tpu.memref_slice %arg5[%select_n3A, %add3A_70, %dma_wait3A_81, %dma_wait3A_82] : memref<4x8x128x256xf32, #tpu.memory_space<hbm>> -> memref<1x1x128x256xf32, #tpu.memory_space<hbm>>
    %dma_wait3A_84 = tpu.memref_squeeze %dma_wait3A_83 : memref<1x1x128x256xf32, #tpu.memory_space<hbm>> -> memref<128x256xf32, #tpu.memory_space<hbm>>
    tpu.wait_dma2 semaphore(%arg14 : memref<!tpu.dma_semaphore, #tpu.memory_space<semaphore_mem>>) src(%dma_wait3A_84 : memref<128x256xf32, #tpu.memory_space<hbm>>) dst(%arg11 : memref<128x256xf32, #tpu.memory_space<vmem>>)
    %broadcast_in_dim3A = arith.constant 0.000000e+00 : f32
    %broadcast_in_dim3A_85 = vector.broadcast %broadcast_in_dim3A : f32 to vector<16xf32>
    %scan3A_86 = arith.constant 0 : i32
    %scan3A_87 = arith.constant 256 : i32
    %scan3A_88 = arith.addi %scan3A_86, %scan3A_87 : i32
    %scan3A_89 = arith.constant 1 : i32
    %scan3A_90:16 = scf.for %scan3A_144 = %scan3A_86 to %scan3A_88 step %scan3A_89 iter_args(%scan3A_145 = %broadcast_in_dim3A_85, %scan3A_146 = %broadcast_in_dim3A_85, %scan3A_147 = %broadcast_in_dim3A_85, %scan3A_148 = %broadcast_in_dim3A_85, %scan3A_149 = %broadcast_in_dim3A_85, %scan3A_150 = %broadcast_in_dim3A_85, %scan3A_151 = %broadcast_in_dim3A_85, %scan3A_152 = %broadcast_in_dim3A_85, %scan3A_153 = %broadcast_in_dim3A_85, %scan3A_154 = %broadcast_in_dim3A_85, %scan3A_155 = %broadcast_in_dim3A_85, %scan3A_156 = %broadcast_in_dim3A_85, %scan3A_157 = %broadcast_in_dim3A_85, %scan3A_158 = %broadcast_in_dim3A_85, %scan3A_159 = %broadcast_in_dim3A_85, %scan3A_160 = %broadcast_in_dim3A_85) -> (vector<16xf32>, vector<16xf32>, vector<16xf32>, vector<16xf32>, vector<16xf32>, vector<16xf32>, vector<16xf32>, vector<16xf32>, vector<16xf32>, vector<16xf32>, vector<16xf32>, vector<16xf32>, vector<16xf32>, vector<16xf32>, vector<16xf32>, vector<16xf32>)  : i32 {
      %mul3A_161 = arith.constant 16 : i32
      %mul3A_162 = arith.muli %scan3A_144, %mul3A_161 : i32
      %get3A_163 = arith.index_cast %mul3A_162 : i32 to index
      %get3A_164 = tpu.vector_load %arg10[%get3A_163] {strides = array<i32>} : memref<4096xf32, #tpu.memory_space<vmem>>, vector<16xf32>,
      %broadcast_in_dim3A_165 = vector.broadcast %scan3A_144 : i32 to vector<16xi32>
      %gather3A = tpu.vector_load_idx %arg11[%add3A_47, %broadcast_in_dim3A_165] : memref<128x256xf32, #tpu.memory_space<vmem>>[vector<16xi32>, vector<16xi32>], vector<16xf32>,
      %mul3A_166 = arith.mulf %get3A_164, %gather3A : vector<16xf32>
      %add3A_167 = arith.addf %scan3A_145, %mul3A_166 : vector<16xf32>
      %add3A_168 = arith.addf %scan3A_153, %gather3A : vector<16xf32>
      %gather3A_169 = tpu.vector_load_idx %arg11[%add3A_50, %broadcast_in_dim3A_165] : memref<128x256xf32, #tpu.memory_space<vmem>>[vector<16xi32>, vector<16xi32>], vector<16xf32>,
      %mul3A_170 = arith.mulf %get3A_164, %gather3A_169 : vector<16xf32>
      %add3A_171 = arith.addf %scan3A_146, %mul3A_170 : vector<16xf32>
      %add3A_172 = arith.addf %scan3A_154, %gather3A_169 : vector<16xf32>
      %gather3A_173 = tpu.vector_load_idx %arg11[%add3A_53, %broadcast_in_dim3A_165] : memref<128x256xf32, #tpu.memory_space<vmem>>[vector<16xi32>, vector<16xi32>], vector<16xf32>,
      %mul3A_174 = arith.mulf %get3A_164, %gather3A_173 : vector<16xf32>
      %add3A_175 = arith.addf %scan3A_147, %mul3A_174 : vector<16xf32>
      %add3A_176 = arith.addf %scan3A_155, %gather3A_173 : vector<16xf32>
      %gather3A_177 = tpu.vector_load_idx %arg11[%add3A_56, %broadcast_in_dim3A_165] : memref<128x256xf32, #tpu.memory_space<vmem>>[vector<16xi32>, vector<16xi32>], vector<16xf32>,
      %mul3A_178 = arith.mulf %get3A_164, %gather3A_177 : vector<16xf32>
      %add3A_179 = arith.addf %scan3A_148, %mul3A_178 : vector<16xf32>
      %add3A_180 = arith.addf %scan3A_156, %gather3A_177 : vector<16xf32>
      %gather3A_181 = tpu.vector_load_idx %arg11[%add3A_59, %broadcast_in_dim3A_165] : memref<128x256xf32, #tpu.memory_space<vmem>>[vector<16xi32>, vector<16xi32>], vector<16xf32>,
      %mul3A_182 = arith.mulf %get3A_164, %gather3A_181 : vector<16xf32>
      %add3A_183 = arith.addf %scan3A_149, %mul3A_182 : vector<16xf32>
      %add3A_184 = arith.addf %scan3A_157, %gather3A_181 : vector<16xf32>
      %gather3A_185 = tpu.vector_load_idx %arg11[%add3A_62, %broadcast_in_dim3A_165] : memref<128x256xf32, #tpu.memory_space<vmem>>[vector<16xi32>, vector<16xi32>], vector<16xf32>,
      %mul3A_186 = arith.mulf %get3A_164, %gather3A_185 : vector<16xf32>
      %add3A_187 = arith.addf %scan3A_150, %mul3A_186 : vector<16xf32>
      %add3A_188 = arith.addf %scan3A_158, %gather3A_185 : vector<16xf32>
      %gather3A_189 = tpu.vector_load_idx %arg11[%add3A_65, %broadcast_in_dim3A_165] : memref<128x256xf32, #tpu.memory_space<vmem>>[vector<16xi32>, vector<16xi32>], vector<16xf32>,
      %mul3A_190 = arith.mulf %get3A_164, %gather3A_189 : vector<16xf32>
      %add3A_191 = arith.addf %scan3A_151, %mul3A_190 : vector<16xf32>
      %add3A_192 = arith.addf %scan3A_159, %gather3A_189 : vector<16xf32>
      %gather3A_193 = tpu.vector_load_idx %arg11[%add3A_68, %broadcast_in_dim3A_165] : memref<128x256xf32, #tpu.memory_space<vmem>>[vector<16xi32>, vector<16xi32>], vector<16xf32>,
      %mul3A_194 = arith.mulf %get3A_164, %gather3A_193 : vector<16xf32>
      %add3A_195 = arith.addf %scan3A_152, %mul3A_194 : vector<16xf32>
      %add3A_196 = arith.addf %scan3A_160, %gather3A_193 : vector<16xf32>
      scf.yield %add3A_167, %add3A_171, %add3A_175, %add3A_179, %add3A_183, %add3A_187, %add3A_191, %add3A_195, %add3A_168, %add3A_172, %add3A_176, %add3A_180, %add3A_184, %add3A_188, %add3A_192, %add3A_196 : vector<16xf32>, vector<16xf32>, vector<16xf32>, vector<16xf32>, vector<16xf32>, vector<16xf32>, vector<16xf32>, vector<16xf32>, vector<16xf32>, vector<16xf32>, vector<16xf32>, vector<16xf32>, vector<16xf32>, vector<16xf32>, vector<16xf32>, vector<16xf32>
    }
    %scan3A_91 = arith.constant 256 : i32
    %add3A_92 = arith.constant 9.99999993E-9 : f32
    %add3A_93 = vector.broadcast %add3A_92 : f32 to vector<16xf32>
    %add3A_94 = arith.addf %scan3A_90#8, %add3A_93 : vector<16xf32>
    %div3A_95 = arith.divf %scan3A_90#0, %add3A_94 : vector<16xf32>
    %swap3A = arith.constant 0 : index
    %swap3A_96 = tpu.vector_load %arg13[%swap3A] {strides = array<i32>} : memref<128xf32, #tpu.memory_space<vmem>>, vector<16xf32>,
    tpu.vector_store %arg13[%swap3A], %div3A_95 {strides = array<i32>} : memref<128xf32, #tpu.memory_space<vmem>>, vector<16xf32>,
    %add3A_97 = arith.constant 9.99999993E-9 : f32
    %add3A_98 = vector.broadcast %add3A_97 : f32 to vector<16xf32>
    %add3A_99 = arith.addf %scan3A_90#9, %add3A_98 : vector<16xf32>
    %div3A_100 = arith.divf %scan3A_90#1, %add3A_99 : vector<16xf32>
    %swap3A_101 = arith.constant 16 : index
    %swap3A_102 = tpu.vector_load %arg13[%swap3A_101] {strides = array<i32>} : memref<128xf32, #tpu.memory_space<vmem>>, vector<16xf32>,
    tpu.vector_store %arg13[%swap3A_101], %div3A_100 {strides = array<i32>} : memref<128xf32, #tpu.memory_space<vmem>>, vector<16xf32>,
    %add3A_103 = arith.constant 9.99999993E-9 : f32
    %add3A_104 = vector.broadcast %add3A_103 : f32 to vector<16xf32>
    %add3A_105 = arith.addf %scan3A_90#10, %add3A_104 : vector<16xf32>
    %div3A_106 = arith.divf %scan3A_90#2, %add3A_105 : vector<16xf32>
    %swap3A_107 = arith.constant 32 : index
    %swap3A_108 = tpu.vector_load %arg13[%swap3A_107] {strides = array<i32>} : memref<128xf32, #tpu.memory_space<vmem>>, vector<16xf32>,
    tpu.vector_store %arg13[%swap3A_107], %div3A_106 {strides = array<i32>} : memref<128xf32, #tpu.memory_space<vmem>>, vector<16xf32>,
    %add3A_109 = arith.constant 9.99999993E-9 : f32
    %add3A_110 = vector.broadcast %add3A_109 : f32 to vector<16xf32>
    %add3A_111 = arith.addf %scan3A_90#11, %add3A_110 : vector<16xf32>
    %div3A_112 = arith.divf %scan3A_90#3, %add3A_111 : vector<16xf32>
    %swap3A_113 = arith.constant 48 : index
    %swap3A_114 = tpu.vector_load %arg13[%swap3A_113] {strides = array<i32>} : memref<128xf32, #tpu.memory_space<vmem>>, vector<16xf32>,
    tpu.vector_store %arg13[%swap3A_113], %div3A_112 {strides = array<i32>} : memref<128xf32, #tpu.memory_space<vmem>>, vector<16xf32>,
    %add3A_115 = arith.constant 9.99999993E-9 : f32
    %add3A_116 = vector.broadcast %add3A_115 : f32 to vector<16xf32>
    %add3A_117 = arith.addf %scan3A_90#12, %add3A_116 : vector<16xf32>
    %div3A_118 = arith.divf %scan3A_90#4, %add3A_117 : vector<16xf32>
    %swap3A_119 = arith.constant 64 : index
    %swap3A_120 = tpu.vector_load %arg13[%swap3A_119] {strides = array<i32>} : memref<128xf32, #tpu.memory_space<vmem>>, vector<16xf32>,
    tpu.vector_store %arg13[%swap3A_119], %div3A_118 {strides = array<i32>} : memref<128xf32, #tpu.memory_space<vmem>>, vector<16xf32>,
    %add3A_121 = arith.constant 9.99999993E-9 : f32
    %add3A_122 = vector.broadcast %add3A_121 : f32 to vector<16xf32>
    %add3A_123 = arith.addf %scan3A_90#13, %add3A_122 : vector<16xf32>
    %div3A_124 = arith.divf %scan3A_90#5, %add3A_123 : vector<16xf32>
    %swap3A_125 = arith.constant 80 : index
    %swap3A_126 = tpu.vector_load %arg13[%swap3A_125] {strides = array<i32>} : memref<128xf32, #tpu.memory_space<vmem>>, vector<16xf32>,
    tpu.vector_store %arg13[%swap3A_125], %div3A_124 {strides = array<i32>} : memref<128xf32, #tpu.memory_space<vmem>>, vector<16xf32>,
    %add3A_127 = arith.constant 9.99999993E-9 : f32
    %add3A_128 = vector.broadcast %add3A_127 : f32 to vector<16xf32>
    %add3A_129 = arith.addf %scan3A_90#14, %add3A_128 : vector<16xf32>
    %div3A_130 = arith.divf %scan3A_90#6, %add3A_129 : vector<16xf32>
    %swap3A_131 = arith.constant 96 : index
    %swap3A_132 = tpu.vector_load %arg13[%swap3A_131] {strides = array<i32>} : memref<128xf32, #tpu.memory_space<vmem>>, vector<16xf32>,
    tpu.vector_store %arg13[%swap3A_131], %div3A_130 {strides = array<i32>} : memref<128xf32, #tpu.memory_space<vmem>>, vector<16xf32>,
    %add3A_133 = arith.constant 9.99999993E-9 : f32
    %add3A_134 = vector.broadcast %add3A_133 : f32 to vector<16xf32>
    %add3A_135 = arith.addf %scan3A_90#15, %add3A_134 : vector<16xf32>
    %div3A_136 = arith.divf %scan3A_90#7, %add3A_135 : vector<16xf32>
    %swap3A_137 = arith.constant 112 : index
    %swap3A_138 = tpu.vector_load %arg13[%swap3A_137] {strides = array<i32>} : memref<128xf32, #tpu.memory_space<vmem>>, vector<16xf32>,
    tpu.vector_store %arg13[%swap3A_137], %div3A_136 {strides = array<i32>} : memref<128xf32, #tpu.memory_space<vmem>>, vector<16xf32>,
    %mul3A_139 = arith.constant 8 : i32
    %mul3A_140 = arith.muli %select_n3A, %mul3A_139 : i32
    %add3A_141 = arith.addi %mul3A_140, %mul3A_32 : i32
    %mul3A_142 = arith.constant 128 : i32
    %mul3A_143 = arith.muli %add3A_141, %mul3A_142 : i32
    "tpu.region"() ({
      %run_scoped3A = tpu.sem_alloc : memref<!tpu.dma_semaphore, #tpu.memory_space<semaphore_mem>>
      %dma_start3A_144 = tpu.memref_slice %arg6[%mul3A_143] : memref<4096xf32, #tpu.memory_space<hbm>> -> memref<128xf32, #tpu.memory_space<hbm>>
      %dma_start3A_145 = tpu.memref_slice %arg6[%mul3A_143] : memref<4096xf32, #tpu.memory_space<hbm>> -> memref<128xf32, #tpu.memory_space<hbm>>
      tpu.enqueue_dma source(%arg13 : memref<128xf32, #tpu.memory_space<vmem>>) target(%dma_start3A_145 : memref<128xf32, #tpu.memory_space<hbm>>) target_semaphore(%run_scoped3A : memref<!tpu.dma_semaphore, #tpu.memory_space<semaphore_mem>>)
      %dma_wait3A_146 = tpu.memref_slice %arg6[%mul3A_143] : memref<4096xf32, #tpu.memory_space<hbm>> -> memref<128xf32, #tpu.memory_space<hbm>>
      %dma_wait3A_147 = tpu.memref_slice %arg6[%mul3A_143] : memref<4096xf32, #tpu.memory_space<hbm>> -> memref<128xf32, #tpu.memory_space<hbm>>
      tpu.wait_dma2 semaphore(%run_scoped3A : memref<!tpu.dma_semaphore, #tpu.memory_space<semaphore_mem>>) src(%arg13 : memref<128xf32, #tpu.memory_space<vmem>>) dst(%dma_wait3A_147 : memref<128xf32, #tpu.memory_space<hbm>>)
      tpu.yield
    }) : () -> ()
    return
  }
}

</mosaic_0001>

<sc_bundles>
// kernel: _sc_call.3.cloned.1.call-start
scs
__scs_entry_jumppad:
0x0: {  	(pc) =	sbr.rel $0x88, $3  }
0x1: {  	(tag) =	ssettag $0x0;
	lr =	simm.s32 $0x1  }
0x2: {  	[smem:$0x3F9D] =	sst lr;
	_ =	strace $0xD0000000  }
0x3: {  	_ = 	snop  }
0x4: {  	_ = 	snop  }
0x5: {  	_ = 	snop  }
0x6: {  	_ = 	snop  }
0x7: {  	_ = 	snop  }
__scs_overlays_trampoline_lowered:
0x8: {  	[smem:$0x3FAC] =	sst s0  }
0x9: {  	[smem:$0x3FAD] =	sst s1  }
0xa: {  	[smem:$0x3FAE] =	sst s2  }
0xb: {  	[smem:$0x3FAF] =	sst s3  }
0xc: {  	[smem:$0x3FB0] =	sst s4  }
0xd: {  	[smem:$0x3FB1] =	sst s5  }
0xe: {  	[smem:$0x3FB2] =	sst s6  }
0xf: {  	[smem:$0x3FB3] =	sst s7  }
0x10: {  	[smem:$0x3FB4] =	sst s8  }
0x11: {  	[smem:$0x3FB5] =	sst s9;
	s0 =	simm.s32 @!p0 $0x0  }
0x12: {  	s1 =	sld [smem:$0x3F9B];
	s0 =	simm.s32 @p0 $0x1  }
0x13: {  	[smem:$0x3FB6] =	sst s0;
	s0 =	simm.s32 @!p1 $0x0  }
0x14: {  	s2 =	sld [smem:$0x3F9A];
	s0 =	simm.s32 @p1 $0x1  }
0x15: {  	[smem:$0x3FB7] =	sst s0;
	s0 =	simm.s32 @!p2 $0x0  }
0x16: {  	s3 =	sld [smem:$0x3FDB];
	s0 =	simm.s32 @p2 $0x1  }
0x17: {  	s4 =	simm.s32 $0x1BF5;
	[smem:$0x3FB9] =	sst s0  }
0x18: {  	s0 =	sld [smem:$0x3F9C];
	_ =	swait.ge [sflag:s4], $0x0  }
0x19: {  	s7 =	sld [smem:$0x3F9D]  }
0x1a: {  	s8 =	sadd.s32 $0xFFFFE003, lr  }
0x1b: {  	s9 =	sadd.s32 $0xFFFFFEF7, lr;
	s5 =	simm.s32 $0xFFFFFFFF;
	p2 =	slt.u32 s8, $0xFFFFF086  }
0x1c: {  	p1 =	slt.u32 s9, $0xF7A;
	s5 =	simm.s32 @!p2 $0x0  }
0x1d: {  	s5 =	simm.s32 @p1 $0x1;
	p0 =	seq.s32 s7, s2  }
0x1e: {  	s7 =	smul.u32 @!p0 $0xF7A, s2;
	p2 =	seq.s32 @!p0 s5, $0x0  }
0x1f: {  	s9 =	smul.u32 $0xF7A, s1;
	s8 =	simm.s32 @!p0 $0x1BF5;
	p2 =	por !p2, p0  }
0x20: {  	[sflag:s8] =	ssyncset.s32 @!p0 $0xFFFFF086;
	s6 =	sadd.s32 @!p0 s3, s7;
	s7 =	simm.s32 @!p0 $0x108  }
0x21: {  	s3 =	sadd.s32 s3, s9;
	s6 =	sadd.s32 @!p0 $0x88, s6;
	s7 =	simm.s32 @p2 $0x1082  }
0x22: {  	[simem:s7], [sflag:s8] =	dma.local @!p0 [hbm:s6], $0xF7A  }
0x23: {  	s9 =	sor.u32 $0xD0000000, s2;
	s6 =	simm.s32 $0x108;
	_ =	swait.ge @!p0 [sflag:s8], $0x0  }
0x24: {  	s3 =	sadd.s32 $0x88, s3;
	s6 =	simm.s32 @!p1 $0x1082;
	[sflag:s4] =	ssyncset.s32 $0xFFFFF086  }
0x25: {  	[simem:s6], [sflag:s4] =	dma.local [hbm:s3], $0xF7A  }
0x26: {  	[smem:$0x3F9D] =	sst s1;
	(tag) =	ssettag s2;
	_ =	strace s9  }
0x27: {  	s1 =	sld [smem:$0x3FAD]  }
0x28: {  	s2 =	sld [smem:$0x3FAE]  }
0x29: {  	s4 =	sld [smem:$0x3FB0]  }
0x2a: {  	p0 =	seq.s32 s5, $0x0;
	s5 =	sld [smem:$0x3FB1]  }
0x2b: {  	s6 =	sld [smem:$0x3FB2]  }
0x2c: {  	s7 =	sld [smem:$0x3FB3]  }
0x2d: {  	s3 =	simm.s32 $0x108;
	s8 =	sld [smem:$0x3FB4]  }
0x2e: {  	s3 =	simm.s32 @!p0 $0x1082;
	s9 =	sld [smem:$0x3FB5]  }
0x2f: {  	lr =	sadd.s32 s0, s3;
	s0 =	sld [smem:$0x3FAC]  }
0x30: {  	s3 =	sld [smem:$0x3FAF]  }
0x31: {  	[smem:$0x3FB8] =	sst s10  }
0x32: {  	s10 =	sld [smem:$0x3FB6];
	_ =	sdelay $0x3  }
0x33: {  	p0 =	seq.s32 s10, $0x1;
	s10 =	sld [smem:$0x3FB8];
	_ =	sdelay $0x3  }
0x34: {  	[smem:$0x3FB8] =	sst s10  }
0x35: {  	s10 =	sld [smem:$0x3FB7];
	_ =	sdelay $0x3  }
0x36: {  	p1 =	seq.s32 s10, $0x1;
	s10 =	sld [smem:$0x3FB8];
	_ =	sdelay $0x3  }
0x37: {  	[smem:$0x3FB8] =	sst s10  }
0x38: {  	s10 =	sld [smem:$0x3FB9]  }
0x39: {  	_ = 	snop;
	(pc) =	sbr.ind lr, $3  }
0x3a: {  	_ = 	snop  }
0x3b: {  	_ = 	snop  }
0x3c: {  	p2 =	seq.s32 s10, $0x1;
	s10 =	sld [smem:$0x3FB8]  }
0x3d: {  	_ =	shalt  }
0x3e: {  	_ =	shalt  }
0x3f: {  	_ =	shalt  }
0x40: {  	_ =	shalt  }
0x41: {  	_ =	shalt  }
0x42: {  	_ =	shalt  }
0x43: {  	_ =	shalt  }
0x44: {  	_ =	shalt  }
0x45: {  	_ =	shalt  }
0x46: {  	_ =	shalt  }
0x47: {  	_ =	shalt  }
0x48: {  	_ =	shalt  }
0x49: {  	_ =	shalt  }
0x4a: {  	_ =	shalt  }
0x4b: {  	_ =	shalt  }
0x4c: {  	_ =	shalt  }
0x4d: {  	_ =	shalt  }
0x4e: {  	_ =	shalt  }
0x4f: {  	_ =	shalt  }
0x50: {  	_ =	shalt  }
0x51: {  	_ =	shalt  }
0x52: {  	_ =	shalt  }
0x53: {  	_ =	shalt  }
0x54: {  	_ =	shalt  }
0x55: {  	_ =	shalt  }
0x56: {  	_ =	shalt  }
0x57: {  	_ =	shalt  }
0x58: {  	_ =	shalt  }
0x59: {  	_ =	shalt  }
0x5a: {  	_ =	shalt  }
0x5b: {  	_ =	shalt  }
0x5c: {  	_ =	shalt  }
0x5d: {  	_ =	shalt  }
0x5e: {  	_ =	shalt  }
0x5f: {  	_ =	shalt  }
0x60: {  	_ =	shalt  }
0x61: {  	_ =	shalt  }
0x62: {  	_ =	shalt  }
0x63: {  	_ =	shalt  }
0x64: {  	_ =	shalt  }
0x65: {  	_ =	shalt  }
0x66: {  	_ =	shalt  }
0x67: {  	_ =	shalt  }
0x68: {  	_ =	shalt  }
0x69: {  	_ =	shalt  }
0x6a: {  	_ =	shalt  }
0x6b: {  	_ =	shalt  }
0x6c: {  	_ =	shalt  }
0x6d: {  	_ =	shalt  }
0x6e: {  	_ =	shalt  }
0x6f: {  	_ =	shalt  }
0x70: {  	_ =	shalt  }
0x71: {  	_ =	shalt  }
0x72: {  	_ =	shalt  }
0x73: {  	_ =	shalt  }
0x74: {  	_ =	shalt  }
0x75: {  	_ =	shalt  }
0x76: {  	_ =	shalt  }
0x77: {  	_ =	shalt  }
0x78: {  	_ =	shalt  }
0x79: {  	_ =	shalt  }
0x7a: {  	_ =	shalt  }
0x7b: {  	_ =	shalt  }
0x7c: {  	_ =	shalt  }
0x7d: {  	_ =	shalt  }
0x7e: {  	_ =	shalt  }
0x7f: {  	_ =	shalt  }
0x80: {  	_ =	shalt  }
0x81: {  	_ =	shalt  }
0x82: {  	_ =	shalt  }
0x83: {  	_ =	shalt  }
0x84: {  	_ =	shalt  }
0x85: {  	_ =	shalt  }
0x86: {  	_ =	shalt  }
0x87: {  	_ =	shalt  }
.Lfunc_end0:
.L_simem_size_0:
called_computation_lowered:
.L_overlay_start_0:
0x88: {  	s2 =	sld [smem:$0x3FD9]  }
0x89: {  	s3 =	sld [smem:$0x3FFE];
	_ =	sdelay $0x1  }
0x8a: {  	s1 =	srdreg.scid  }
0x8b: {  	s0 =	sand.u32 $0x1, s1  }
0x8c: {  	s18 =	sshll.u32 s0, $0xA;
	s2 =	sadd.s32 s3, s2  }
0x8d: {  	s2 =	sadd.s32 s2, s18  }
0x8e: {  	[smem:$0x3FC4] =	sst s2  }
0x8f: {  	_ = 	snop  }
0x90: {  	s2 =	sld [smem:$0x3FC9]  }
0x91: {  	s19 =	sld [smem:$0x3FC8]  }
0x92: {  	s4 =	sld [smem:$0x3FC7]  }
0x93: {  	s5 =	sld [smem:$0x3FC6]  }
0x94: {  	s6 =	sld [smem:$0x3FD0];
	(tm) =	ssettm $0x1  }
0x95: {  	s7 =	sld [smem:$0x3FFB];
	_ =	sdelay $0x3  }
0x96: {  	_ =	strace s7  }
0x97: {  	s7 =	sld [smem:$0x3FFC];
	_ =	sdelay $0x3  }
0x98: {  	_ =	strace s7  }
0x99: {  	s7 =	sld [smem:$0x3FFD];
	_ =	sdelay $0x3  }
0x9a: {  	_ =	strace s7  }
0x9b: {  	_ =	strace $0x8FFFFFFF  }
0x9c: {  	s20 =	sld [smem:$0x3FDB];
	_ =	sdelay $0x1  }
0x9d: {  	s8 =	simm.s32 $_scs_section_size  }
0x9e: {  	s9 =	simm.s32 $_size__tile_overlayer_lowered;
	s10 =	simm.s32 $_tile_overlayer_lowered  }
0x9f: {  	s23 =	simm.s32 $0x1BFF;
	s22 =	sshll.u32 s10, $0x1;
	s7 =	sadd.s32 s8, s20  }
0xa0: {  	s11 =	simm.s32 $0x0;
	s21 =	sshll.u32 s9, $0x1;
	s9 =	sadd.s32 s22, s7  }
0xa1: {  	[timem:s11], [sflag:s23] =	dma.local [hbm:s9], s21  }
0xa2: {  	_ =	swait.ge [sflag:s23], s21  }
0xa3: {  	s8 =	ssub.s32 $0x0, s21;
	[sflag:s23] =	ssyncset.done $0x0  }
0xa4: {  	[sflag:s23] =	ssyncadd.s32 s8;
	_ =	sdelay $0x1  }
0xa5: {  	s24 =	simm.s32 $0x1B8B  }
0xa6: {  	_ =	swait.ge [sflag:s24], $0x1  }
0xa7: {  	[sflag:s24] =	ssyncset.done $0x0  }
0xa8: {  	s25 =	simm.s32 $0x1B8E;
	[sflag:s24] =	ssyncadd.s32 $0xFFFFFFFF  }
0xa9: {  	s26 =	simm.s32 $execute0_lowered;
	[smem:$0x3FD2] =	sst s25  }
0xaa: {  	s8 =	sshll.u32 s26, $0x1;
	_ =	strace $0x80000046;
	[dreg:$0x1] =	wrdreg $0xFFFFFFFF  }
0xab: {  	s28 =	simm.s32 $_size_execute0_lowered;
	s7 =	sadd.s32 s7, s8;
	[dreg:$0x0] =	wrdreg $0x0  }
0xac: {  	s8 =	sshll.u32 s28, $0x1;
	[dreg:$0x2] =	wrdreg s7  }
0xad: {  	[dreg:$0x3] =	wrdreg s8  }
0xae: {  	[dreg:$0x4] =	wrdreg $0xC0  }
0xaf: {  	_ =	task [dreg:s11], $0x5FFFF  }
0xb0: {  	[dreg:$0x1] =	wrdreg $0xFFFFFFFF  }
0xb1: {  	[dreg:$0x0] =	wrdreg $0x60  }
0xb2: {  	[dreg:$0x2] =	wrdreg s2  }
0xb3: {  	[dreg:$0x3] =	wrdreg s19  }
0xb4: {  	[dreg:$0x4] =	wrdreg s4  }
0xb5: {  	[dreg:$0x5] =	wrdreg s5  }
0xb6: {  	[dreg:$0x6] =	wrdreg s6  }
0xb7: {  	[dreg:$0x7] =	wrdreg $0x9  }
0xb8: {  	_ =	task.clear_ibuf [dreg:s11], $0x8FFFF;
	_ =	strace $0x90000046  }
0xb9: {  	s29 =	simm.s32 $0x9;
	_ =	strace $0x80000048  }
0xba: {  	_ =	swait.ge [sflag:s29], $0x1  }
0xbb: {  	[sflag:s29] =	ssyncadd.s32 $0xFFFFFFFF  }
0xbc: {  	_ =	strace $0x90000048  }
0xbd: {  	_ =	sfence  }
0xbe: {  	s30 =	sld [smem:$0x0];
	_ =	sdelay $0x2  }
0xbf: {  	s31 =	sshll.u32 s1, $0xD;
	s1 =	sshrl.u32 s1, $0x2  }
0xc0: {  	s3 =	sand.u32 $0x4000, s31;
	s1 =	sadd.s32 s1, s30  }
0xc1: {  	s0 =	sor.u32 s3, s0;
	s1 =	sshll.u32 s1, $0x11  }
0xc2: {  	s0 =	sor.u32 s1, s0  }
0xc3: {  	s0 =	sadd.s32 $0x8F2B, s0  }
0xc4: {  	[sflag:s0] =	ssyncadd.remote.s32 $0x1  }
0xc5: {  	_ =	sfence.sel $0xFFFF  }
0xc6: {  	[dreg:$0x0] =	wrdreg $0xFFFFFFFF;
	(pc) =	sbr.abs _section_cstart, $3  }
0xc7: {  	[dreg:$0x1] =	wrdreg $0xFFFFFFFF  }
0xc8: {  	_ =	task.clear_ibuf [dreg:s11], $0x2FFFF;
	_ =	strace $0x9FFFFFFF  }
0xc9: {  	(tm) =	ssettm $0x7FFFFFFF  }
tec
execute0_lowered:
.L_overlay_start_1:
0x0: {  	(tag) =	ssettag $0x1  }
0x1: {  	v0 =	vimm.s32 $0xB80;
	vm14 =	vcmask $0x300  }
0x2: {  	v1 =	vimm.s32 $0x1B80;
	vm13 =	vcmask $0x704;
	vm12 =	vcmask $0xB08  }
0x3: {  	vm11 =	vcmask $0xF0C;
	vm10 =	vcmask $0x1310;
	vm9 =	vcmask $0x1714  }
0x4: {  	vm8 =	vcmask $0x1B18;
	vm7 =	vcmask $0x1F1C;
	vm6 =	vcmask $0x2320  }
0x5: {  	vm5 =	vcmask $0x2724;
	vm4 =	vcmask $0x2B28;
	vm3 =	vcmask $0x2F2C  }
0x6: {  	vm2 =	vcmask $0x3330;
	vm1 =	vcmask $0x3734;
	vm0 =	vcmask $0x3B38  }
0x7: {  	v2 =	vimm.s32 $0x2B80;
	v3 =	vimm.s32 $0x3B80;
	v4 =	vimm.s32 $0x4B80  }
0x8: {  	v5 =	vimm.s32 $0x5B80;
	v6 =	vimm.s32 $0x6B80;
	v7 =	vimm.s32 $0x7B80  }
0x9: {  	v0 =	vsel vm14, $0x0, v0;
	v1 =	vsel vm14, $0x1000, v1;
	v2 =	vsel vm14, $0x2000, v2  }
0xa: {  	v3 =	vsel vm14, $0x3000, v3;
	v4 =	vsel vm14, $0x4000, v4;
	v5 =	vsel vm14, $0x5000, v5  }
0xb: {  	v6 =	vsel vm14, $0x6000, v6;
	v7 =	vsel vm14, $0x7000, v7;
	v0 =	vsel vm13, $0x80, v0  }
0xc: {  	v1 =	vsel vm13, $0x1080, v1;
	v2 =	vsel vm13, $0x2080, v2;
	v3 =	vsel vm13, $0x3080, v3  }
0xd: {  	v4 =	vsel vm13, $0x4080, v4;
	v5 =	vsel vm13, $0x5080, v5;
	v6 =	vsel vm13, $0x6080, v6  }
0xe: {  	v7 =	vsel vm13, $0x7080, v7;
	v0 =	vsel vm12, $0x100, v0;
	v1 =	vsel vm12, $0x1100, v1  }
0xf: {  	v2 =	vsel vm12, $0x2100, v2;
	v3 =	vsel vm12, $0x3100, v3;
	v4 =	vsel vm12, $0x4100, v4  }
0x10: {  	v5 =	vsel vm12, $0x5100, v5;
	v6 =	vsel vm12, $0x6100, v6;
	v7 =	vsel vm12, $0x7100, v7  }
0x11: {  	v0 =	vsel vm11, $0x180, v0;
	v1 =	vsel vm11, $0x1180, v1;
	v2 =	vsel vm11, $0x2180, v2  }
0x12: {  	v3 =	vsel vm11, $0x3180, v3;
	v4 =	vsel vm11, $0x4180, v4;
	v5 =	vsel vm11, $0x5180, v5  }
0x13: {  	v6 =	vsel vm11, $0x6180, v6;
	v7 =	vsel vm11, $0x7180, v7;
	v0 =	vsel vm10, $0x200, v0  }
0x14: {  	v1 =	vsel vm10, $0x1200, v1;
	v2 =	vsel vm10, $0x2200, v2;
	v3 =	vsel vm10, $0x3200, v3  }
0x15: {  	v4 =	vsel vm10, $0x4200, v4;
	v5 =	vsel vm10, $0x5200, v5;
	v6 =	vsel vm10, $0x6200, v6  }
0x16: {  	v7 =	vsel vm10, $0x7200, v7;
	v0 =	vsel vm9, $0x280, v0;
	v1 =	vsel vm9, $0x1280, v1  }
0x17: {  	v2 =	vsel vm9, $0x2280, v2;
	v3 =	vsel vm9, $0x3280, v3;
	v4 =	vsel vm9, $0x4280, v4  }
0x18: {  	v5 =	vsel vm9, $0x5280, v5;
	v6 =	vsel vm9, $0x6280, v6;
	v7 =	vsel vm9, $0x7280, v7  }
0x19: {  	v0 =	vsel vm8, $0x300, v0;
	v1 =	vsel vm8, $0x1300, v1;
	v2 =	vsel vm8, $0x2300, v2  }
0x1a: {  	v3 =	vsel vm8, $0x3300, v3;
	v4 =	vsel vm8, $0x4300, v4;
	v5 =	vsel vm8, $0x5300, v5  }
0x1b: {  	v6 =	vsel vm8, $0x6300, v6;
	v7 =	vsel vm8, $0x7300, v7;
	v0 =	vsel vm7, $0x380, v0  }
0x1c: {  	v1 =	vsel vm7, $0x1380, v1;
	v2 =	vsel vm7, $0x2380, v2;
	v3 =	vsel vm7, $0x3380, v3  }
0x1d: {  	v4 =	vsel vm7, $0x4380, v4;
	v5 =	vsel vm7, $0x5380, v5;
	v6 =	vsel vm7, $0x6380, v6  }
0x1e: {  	v7 =	vsel vm7, $0x7380, v7;
	v0 =	vsel vm6, $0x800, v0;
	v1 =	vsel vm6, $0x1800, v1  }
0x1f: {  	v2 =	vsel vm6, $0x2800, v2;
	v3 =	vsel vm6, $0x3800, v3;
	v4 =	vsel vm6, $0x4800, v4  }
0x20: {  	v5 =	vsel vm6, $0x5800, v5;
	v6 =	vsel vm6, $0x6800, v6;
	v7 =	vsel vm6, $0x7800, v7  }
0x21: {  	s5 =	rddreg [dreg:$0x0];
	v0 =	vsel vm5, $0x880, v0;
	v1 =	vsel vm5, $0x1880, v1;
	v2 =	vsel vm5, $0x2880, v2  }
0x22: {  	s0 =	rddreg [dreg:$0x1];
	v3 =	vsel vm5, $0x3880, v3;
	v4 =	vsel vm5, $0x4880, v4;
	v5 =	vsel vm5, $0x5880, v5  }
0x23: {  	s1 =	rddreg [dreg:$0x2];
	v6 =	vsel vm5, $0x6880, v6;
	v7 =	vsel vm5, $0x7880, v7;
	v0 =	vsel vm4, $0x900, v0  }
0x24: {  	s6 =	rddreg [dreg:$0x3];
	v1 =	vsel vm4, $0x1900, v1;
	v2 =	vsel vm4, $0x2900, v2;
	v3 =	vsel vm4, $0x3900, v3  }
0x25: {  	s7 =	rddreg [dreg:$0x4];
	v4 =	vsel vm4, $0x4900, v4;
	v5 =	vsel vm4, $0x5900, v5;
	v6 =	vsel vm4, $0x6900, v6  }
0x26: {  	s2 =	rddreg [dreg:$0x5];
	s3 =	simm.s32 $0x0;
	v7 =	vsel vm4, $0x7900, v7;
	v0 =	vsel vm3, $0x980, v0;
	v1 =	vsel vm3, $0x1980, v1  }
0x27: {  	s4 =	srdreg.scid;
	s13 =	simm.s32 $0x1;
	s14 =	simm.s32 $0xA100;
	v2 =	vsel vm3, $0x2980, v2;
	v3 =	vsel vm3, $0x3980, v3;
	v4 =	vsel vm3, $0x4980, v4  }
0x28: {  	s15 =	simm.s32 $0x0;
	[smem:$0x7FF] =	sst s3;
	s8 =	sand.u32 $0x1, s4;
	v5 =	vsel vm3, $0x5980, v5;
	v6 =	vsel vm3, $0x6980, v6;
	v7 =	vsel vm3, $0x7980, v7  }
0x29: {  	s4 =	stileid.u32;
	_ =	strace $0x80000047;
	s9 =	ssub.s32 $0x2, s8;
	v0 =	vsel vm2, $0xA00, v0;
	v1 =	vsel vm2, $0x1A00, v1;
	v2 =	vsel vm2, $0x2A00, v2  }
0x2a: {  	s11 =	sshll.u32 s4, $0x1;
	s12 =	sshrl.u32 s4, $0x2;
	s10 =	sshrl.u32 s9, $0x1;
	v3 =	vsel vm2, $0x3A00, v3;
	v4 =	vsel vm2, $0x4A00, v4;
	v5 =	vsel vm2, $0x5A00, v5  }
0x2b: {  	s26 =	sand.u32 $0x6, s11;
	s28 =	sshll.u32 s12, $0x9;
	s29 =	sshll.u32 s12, $0xF;
	v6 =	vsel vm2, $0x6A00, v6;
	v7 =	vsel vm2, $0x7A00, v7;
	v0 =	vsel vm1, $0xA80, v0  }
0x2c: {  	s31 =	sshll.u32 s12, $0x7;
	s11 =	simm.s32 $0x1080;
	s12 =	simm.s32 $0x2100;
	v1 =	vsel vm1, $0x1A80, v1;
	v2 =	vsel vm1, $0x2A80, v2;
	v3 =	vsel vm1, $0x3A80, v3  }
0x2d: {  	s9 =	ssub.s32 s9, s10;
	s8 =	sor.u32 s8, s26;
	s5 =	sadd.s32 s5, s28;
	v4 =	vsel vm1, $0x4A80, v4;
	v5 =	vsel vm1, $0x5A80, v5;
	v6 =	vsel vm1, $0x6A80, v6  }
0x2e: {  	s6 =	sadd.s32 s6, s29;
	s7 =	sadd.s32 s7, s31;
	s30 =	sshll.u32 s8, $0xC;
	v7 =	vsel vm1, $0x7A80, v7;
	v0 =	vsel vm0, $0xB00, v0;
	v1 =	vsel vm0, $0x1B00, v1  }
0x2f: {  	s10 =	simm.s32 $0x1000;
	s8 =	sshll.u32 s8, $0x4;
	s6 =	sadd.s32 s30, s6;
	v2 =	vsel vm0, $0x2B00, v2;
	v3 =	vsel vm0, $0x3B00, v3;
	v4 =	vsel vm0, $0x4B00, v4  }
0x30: {  	s7 =	sadd.s32 s8, s7;
	s8 =	smax.u32 s9, $0x1;
	s9 =	simm.s32 $0x2;
	v5 =	vsel vm0, $0x5B00, v5;
	v6 =	vsel vm0, $0x6B00, v6;
	v7 =	vsel vm0, $0x7B00, v7  }
.LBB2_1:
0x31: {  	[tilespmem:s3], [sflag:$0x2] =	stream.linear.gather [hbm4b:s5+s3], $0x1000, $0x38;
	[tilespmem:$0xA180] =	vst v63  }
0x32: {  	_ =	swait.ge [sflag:s9], $0x1000  }
0x33: {  	[sflag:s9] =	ssyncset.done $0x0  }
0x34: {  	[sflag:s9] =	ssyncadd.s32 $0xFFFFF000  }
0x35: {  	[tilespmem:s10], [sflag:$0x2] =	stream.linear.gather [hbm4b:s0+s3], $0x80, $0x38;
	[tilespmem:$0xA180] =	vst v63  }
0x36: {  	_ =	swait.ge [sflag:s9], $0x80  }
0x37: {  	[sflag:s9] =	ssyncset.done $0x0  }
0x38: {  	[sflag:s9] =	ssyncadd.s32 $0xFFFFFF80  }
0x39: {  	[tilespmem:s11], [sflag:$0x2] =	stream.linear.gather [hbm4b:s1+s3], $0x80, $0x38;
	[tilespmem:$0xA180] =	vst v63  }
0x3a: {  	_ =	swait.ge [sflag:s9], $0x80  }
0x3b: {  	[sflag:s9] =	ssyncset.done $0x0  }
0x3c: {  	[sflag:s9] =	ssyncadd.s32 $0xFFFFFF80  }
0x3d: {  	s17 =	simm.s32 $0x0;
	v9 =	vld [tilespmem:$0x1000]  }
0x3e: {  	v8 =	vld [tilespmem:s17+$0x0];
	_ =	sdelay $0x3  }
0x3f: {  	s16 =	simm.s32 $0x10  }
0x40: {  	v10 =	vld [tilespmem:s16+$0x0];
	v11 =	vmul.f32 v8, v9;
	_ =	sdelay $0x1  }
0x41: {  	(xrf2) =	vadd.scan.msk.f32 $0xffff, v11;
	_ =	sdelay $0x2  }
0x42: {  	v12 =	vmul.f32 v10, v9  }
0x43: {  	s18 =	simm.s32 $0x20  }
0x44: {  	v10 =	vld [tilespmem:s18+$0x0];
	(xrf2) =	vadd.scan.msk.f32 $0xffff, v12;
	_ =	sdelay $0x2  }
0x45: {  	v8 =	vld [tilespmem:$0x1080]  }
0x46: {  	s19 =	simm.s32 $0xC0  }
.LBB2_2:
0x47: {  	s20 =	sshra.s32 s19, $0x2;
	p0 =	sne.s32 s19, $0x3FC0;
	s19 =	sadd.s32 $0x40, s19;
	v11 =	vmul.f32 v10, v9;
	v12, _, _ =	vpop (xrf2)  }
.Ltmp0:
0x48: {  	v10 =	vld [tilespmem:s20+$0x0];
	v12 =	vbroadcast v12, $0xF;
	(pc) =	sbr.rel @p0 .LBB2_2-.Ltmp0, $3  }
0x49: {  	(xrf2) =	vadd.scan.msk.f32 $0xffff, v11  }
0x4a: {  	v11 =	vadd.f32 v12, v8;
	_ =	sdelay $0x1  }
0x4b: {  	[tilespmem:s17+$0x1100] =	vst v11;
	s17 =	smov.u32 s16;
	s16 =	smov.u32 s18;
	s18 =	smov.u32 s20  }
0x4c: {  	v9 =	vmul.f32 v10, v9;
	_ =	sdelay $0x1  }
0x4d: {  	(xrf2) =	vadd.scan.msk.f32 $0xffff, v9;
	_ =	sdelay $0x7  }
0x4e: {  	v9, _, _ =	vpop (xrf2)  }
0x4f: {  	v9 =	vbroadcast v9, $0xF;
	v10, _, _ =	vpop (xrf2)  }
0x50: {  	s19 =	simm.s32 $0x0;
	v10 =	vbroadcast v10, $0xF;
	v11, _, _ =	vpop (xrf2)  }
0x51: {  	v12 =	vmov s19;
	v9 =	vadd.f32 v9, v8;
	v11 =	vbroadcast v11, $0xF  }
0x52: {  	v13 =	vshll.u32 v12, $0x3;
	v10 =	vadd.f32 v10, v8  }
0x53: {  	[tilespmem:s17+$0x1100] =	vst v9;
	v9 =	vand.u32 $0x7F, v12;
	v8 =	vadd.f32 v11, v8;
	v11 =	vand.u32 $0x400, v13  }
0x54: {  	[tilespmem:s16+$0x1100] =	vst v10;
	v9 =	vor.u32 v9, v11  }
0x55: {  	[tilespmem:s18+$0x1100] =	vst v8;
	v8 =	vor.u32 v7, v9  }
0x56: {  	[tilespmem:s12], [sflag:$0x1] =	stream.linear.gather [hbm4b:s6+s19], $0x8000, $0x38;
	[tilespmem:$0xA180] =	vst v63  }
0x57: {  	v10 =	vor.u32 v0, v9;
	_ =	swait.ge [sflag:s13], $0x8000  }
0x58: {  	v12 =	vor.u32 v2, v9;
	[sflag:s13] =	ssyncset.done $0x0  }
0x59: {  	v13 =	vor.u32 v3, v9;
	[sflag:s13] =	ssyncadd.s32 $0xFFFF8000  }
0x5a: {  	s29 =	simm.s32 $0x1100;
	v11 =	vor.u32 v1, v9;
	v8 =	vld.idx.msk [tilespmem:v8+s12+$0x0], $0xffff  }
0x5b: {  	s30 =	simm.s32 $0x1;
	v24 =	vld [tilespmem:s29+$0x0]  }
0x5c: {  	v17 =	vmov s30;
	v16 =	vor.u32 v5, v9;
	v10 =	vld.idx.msk [tilespmem:v10+s12+$0x0], $0xffff  }
0x5d: {  	v15 =	vor.u32 v4, v9;
	v25 =	vld.idx.msk [tilespmem:v12+s12+$0x0], $0xffff;
	v12 =	vshll.u32 v17, $0x3  }
0x5e: {  	v9 =	vor.u32 v6, v9;
	v26 =	vld.idx.msk [tilespmem:v13+s12+$0x0], $0xffff;
	v13 =	vand.u32 $0x7F, v17;
	v12 =	vand.u32 $0x400, v12  }
0x5f: {  	s31 =	simm.s32 $0x2;
	v11 =	vld.idx.msk [tilespmem:v11+s12+$0x0], $0xffff;
	v12 =	vor.u32 v13, v12  }
0x60: {  	v14 =	vimm.f32 $0.0e+00;
	v36 =	vmov s31;
	v13 =	vor.u32 v7, v12  }
0x61: {  	v23 =	vld.idx.msk [tilespmem:v16+s12+$0x0], $0xffff;
	v32 =	vor.u32 v1, v12;
	v33 =	vor.u32 v2, v12;
	v30 =	vor.u32 v3, v12  }
0x62: {  	v22 =	vld.idx.msk [tilespmem:v15+s12+$0x0], $0xffff;
	v28 =	vor.u32 v4, v12;
	v27 =	vor.u32 v5, v12;
	v17 =	vmul.f32 v8, v24  }
0x63: {  	v21 =	vld.idx.msk [tilespmem:v9+s12+$0x0], $0xffff;
	v15 =	vadd.f32 v8, v14;
	v8 =	vor.u32 v0, v12;
	v9 =	vmul.f32 v10, v24  }
0x64: {  	v18 =	vadd.f32 v10, v14;
	v10 =	vmul.f32 v11, v24;
	v29 =	vmul.f32 v25, v24  }
0x65: {  	s16 =	simm.s32 $0x1110;
	v31 =	vmul.f32 v26, v24;
	v25 =	vadd.f32 v25, v14;
	v26 =	vadd.f32 v26, v14  }
0x66: {  	v35 =	vmul.f32 v23, v24;
	v16 =	vadd.f32 v17, v14;
	v17 =	vadd.f32 v11, v14;
	v11 =	vld [tilespmem:s16+$0x0]  }
0x67: {  	v19 =	vadd.f32 v9, v14;
	v9 =	vmul.f32 v22, v24;
	v20 =	vadd.f32 v10, v14;
	v34 =	vld.idx.msk [tilespmem:v13+s12+$0x0], $0xffff  }
0x68: {  	v24 =	vmul.f32 v21, v24;
	v10 =	vadd.f32 v31, v14;
	v13 =	vadd.f32 v29, v14;
	v32 =	vld.idx.msk [tilespmem:v32+s12+$0x0], $0xffff  }
0x69: {  	v29 =	vor.u32 v6, v12;
	v12 =	vadd.f32 v9, v14;
	v9 =	vadd.f32 v35, v14;
	v31 =	vld.idx.msk [tilespmem:v8+s12+$0x0], $0xffff  }
0x6a: {  	s17 =	simm.s32 $0x3;
	v35 =	vimm.f32 $0.0e+00;
	v8 =	vadd.f32 v24, v14;
	v24 =	vld.idx.msk [tilespmem:v33+s12+$0x0], $0xffff;
	v33 =	vimm.f32 $0.0e+00  }
.LBB2_4:
0x6b: {  	p0 =	sne.s32 s17, $0xFF;
	v37 =	vshll.u32 v36, $0x3;
	v38 =	vld.idx.msk [tilespmem:v30+s12+$0x0], $0xffff;
	v14 =	vadd.f32 v22, v14;
	v35 =	vadd.f32 v23, v35  }
0x6c: {  	v23 =	vand.u32 $0x7F, v36;
	v30 =	vand.u32 $0x400, v37;
	v22 =	vld.idx.msk [tilespmem:v28+s12+$0x0], $0xffff;
	v28 =	vmul.f32 v34, v11  }
0x6d: {  	v15 =	vadd.f32 v34, v15;
	v33 =	vadd.f32 v21, v33;
	v36 =	vor.u32 v23, v30;
	v23 =	vld.idx.msk [tilespmem:v27+s12+$0x0], $0xffff  }
0x6e: {  	v37 =	vor.u32 v0, v36;
	v34 =	vor.u32 v7, v36;
	v21 =	vld.idx.msk [tilespmem:v29+s12+$0x0], $0xffff;
	v16 =	vadd.f32 v28, v16  }
0x6f: {  	v39 =	vor.u32 v1, v36;
	v40 =	vor.u32 v2, v36;
	v30 =	vor.u32 v3, v36  }
0x70: {  	v28 =	vor.u32 v4, v36;
	v27 =	vor.u32 v5, v36;
	v29 =	vor.u32 v6, v36  }
0x71: {  	v18 =	vadd.f32 v31, v18;
	v36 =	vmul.f32 v31, v11;
	v31 =	vmul.f32 v32, v11  }
0x72: {  	v17 =	vadd.f32 v32, v17;
	v32 =	vmul.f32 v24, v11;
	v41 =	vmul.f32 v38, v11  }
.Ltmp1:
0x73: {  	s16 =	sadd.s32 $0x10, s16;
	v19 =	vadd.f32 v36, v19;
	v36 =	vmul.f32 v22, v11;
	v42 =	vmul.f32 v23, v11;
	v34 =	vld.idx.msk [tilespmem:v34+s12+$0x0], $0xffff;
	(pc) =	sbr.rel @p0 .LBB2_4-.Ltmp1, $4  }
0x74: {  	v20 =	vadd.f32 v31, v20;
	v13 =	vadd.f32 v32, v13;
	v43 =	vmul.f32 v21, v11;
	v11 =	vld [tilespmem:s16+$0x0]  }
0x75: {  	v10 =	vadd.f32 v41, v10;
	v12 =	vadd.f32 v36, v12;
	v31 =	vld.idx.msk [tilespmem:v37+s12+$0x0], $0xffff  }
0x76: {  	v9 =	vadd.f32 v42, v9;
	v8 =	vadd.f32 v43, v8;
	v32 =	vld.idx.msk [tilespmem:v39+s12+$0x0], $0xffff  }
0x77: {  	v25 =	vadd.f32 v24, v25;
	v26 =	vadd.f32 v38, v26;
	v36 =	vmov s17;
	s17 =	sadd.s32 $0x1, s17;
	v24 =	vld.idx.msk [tilespmem:v40+s12+$0x0], $0xffff  }
0x78: {  	v37 =	vshll.u32 v36, $0x3  }
0x79: {  	v50 =	vand.u32 $0x7F, v36;
	v37 =	vand.u32 $0x400, v37  }
0x7a: {  	v36 =	vor.u32 v50, v37  }
0x7b: {  	v37 =	vor.u32 v0, v36  }
0x7c: {  	v30 =	vld.idx.msk [tilespmem:v30+s12+$0x0], $0xffff;
	v38 =	vor.u32 v1, v36  }
0x7d: {  	v14 =	vadd.f32 v22, v14;
	v51 =	vld.idx.msk [tilespmem:v28+s12+$0x0], $0xffff;
	v52 =	vor.u32 v2, v36  }
0x7e: {  	v23 =	vadd.f32 v23, v35;
	v27 =	vld.idx.msk [tilespmem:v27+s12+$0x0], $0xffff;
	v15 =	vadd.f32 v34, v15;
	v39 =	vor.u32 v3, v36  }
0x7f: {  	v21 =	vadd.f32 v21, v33;
	v29 =	vld.idx.msk [tilespmem:v29+s12+$0x0], $0xffff;
	v53 =	vmul.f32 v34, v11;
	v54 =	vor.u32 v4, v36  }
0x80: {  	v56 =	vmul.f32 v31, v11;
	v18 =	vadd.f32 v31, v18;
	v55 =	vor.u32 v5, v36;
	v37 =	vld.idx.msk [tilespmem:v37+s12+$0x0], $0xffff  }
0x81: {  	v16 =	vadd.f32 v53, v16;
	v40 =	vor.u32 v6, v36;
	v57 =	vmul.f32 v32, v11;
	v38 =	vld.idx.msk [tilespmem:v38+s12+$0x0], $0xffff  }
0x82: {  	v36 =	vor.u32 v7, v36;
	v17 =	vadd.f32 v32, v17;
	v19 =	vadd.f32 v56, v19;
	v28 =	vld.idx.msk [tilespmem:v52+s12+$0x0], $0xffff  }
0x83: {  	v25 =	vadd.f32 v24, v25;
	v20 =	vadd.f32 v57, v20;
	v58 =	vld.idx.msk [tilespmem:v39+s12+$0x0], $0xffff  }
0x84: {  	v26 =	vadd.f32 v30, v26;
	v14 =	vadd.f32 v51, v14;
	v59 =	vld.idx.msk [tilespmem:v54+s12+$0x0], $0xffff  }
0x85: {  	v60 =	vmul.f32 v24, v11;
	v23 =	vadd.f32 v27, v23;
	v61 =	vld.idx.msk [tilespmem:v55+s12+$0x0], $0xffff;
	v18 =	vadd.f32 v37, v18  }
0x86: {  	v30 =	vmul.f32 v30, v11;
	v21 =	vadd.f32 v29, v21;
	v62 =	vld.idx.msk [tilespmem:v40+s12+$0x0], $0xffff;
	v17 =	vadd.f32 v38, v17  }
0x87: {  	v22 =	vmul.f32 v51, v11;
	v63 =	vld.idx.msk [tilespmem:v36+s12+$0x0], $0xffff;
	v25 =	vadd.f32 v28, v25;
	v18 =	vadd.f32 $9.999999930e-09, v18  }
0x88: {  	v27 =	vmul.f32 v27, v11;
	v26 =	vadd.f32 v58, v26;
	v17 =	vadd.f32 $9.999999930e-09, v17  }
0x89: {  	s16 =	sadd.s32 $0x10, s16;
	v14 =	vadd.f32 v59, v14;
	v36 =	vadd.f32 $9.999999930e-09, v25;
	(erf) = vrcp.f32 v18  }
0x8a: {  	v39 =	vld [tilespmem:s16+$0x0];
	v23 =	vadd.f32 v61, v23;
	v40 =	vadd.f32 $9.999999930e-09, v26;
	(erf) = vrcp.f32 v17  }
0x8b: {  	v21 =	vadd.f32 v62, v21;
	v14 =	vadd.f32 $9.999999930e-09, v14;
	(erf) = vrcp.f32 v36  }
0x8c: {  	v15 =	vadd.f32 v63, v15;
	v41 =	vadd.f32 $9.999999930e-09, v23;
	(erf) = vrcp.f32 v40  }
0x8d: {  	v43 =	vmul.f32 v29, v11;
	v42 =	vadd.f32 $9.999999930e-09, v21;
	(erf) = vrcp.f32 v14  }
0x8e: {  	v13 =	vadd.f32 v60, v13;
	v15 =	vadd.f32 $9.999999930e-09, v15;
	(erf) = vrcp.f32 v41  }
0x8f: {  	v10 =	vadd.f32 v30, v10;
	v44 =	vmul.f32 v37, v39;
	(erf) = vrcp.f32 v42  }
0x90: {  	v12 =	vadd.f32 v22, v12;
	v45 =	vmul.f32 v38, v39;
	(erf) = vrcp.f32 v15  }
0x91: {  	v9 =	vadd.f32 v27, v9;
	v46 =	vmul.f32 v28, v39;
	v17 =	vadd.f32 v44, v19  }
0x92: {  	v8 =	vadd.f32 v43, v8;
	v48 =	vmul.f32 v58, v39;
	v14 =	vadd.f32 v45, v20;
	v47 =	vpop (erf)  }
0x93: {  	v50 =	vmul.f32 v59, v39;
	v13 =	vadd.f32 v46, v13;
	v49 =	vpop (erf);
	v51 =	vmul.f32 v47, v17  }
0x94: {  	v53 =	vmul.f32 v61, v39;
	v10 =	vadd.f32 v48, v10;
	v52 =	vpop (erf);
	v54 =	vmul.f32 v49, v14  }
0x95: {  	v56 =	vmul.f32 v62, v39;
	v12 =	vadd.f32 v50, v12;
	v55 =	vpop (erf);
	[tilespmem:$0xA100] =	vst v51;
	v13 =	vmul.f32 v52, v13  }
0x96: {  	v58 =	vmul.f32 v63, v39;
	v9 =	vadd.f32 v53, v9;
	v57 =	vpop (erf);
	[tilespmem:$0xA110] =	vst v54;
	v10 =	vmul.f32 v55, v10  }
0x97: {  	v8 =	vadd.f32 v56, v8;
	v59 =	vpop (erf);
	[tilespmem:$0xA120] =	vst v13;
	v12 =	vmul.f32 v57, v12  }
0x98: {  	v61 =	vadd.f32 v58, v16;
	v60 =	vpop (erf);
	[tilespmem:$0xA130] =	vst v10;
	v9 =	vmul.f32 v59, v9  }
0x99: {  	[tilespmem:$0xA140] =	vst v12;
	v8 =	vmul.f32 v60, v8;
	v62 =	vpop (erf)  }
0x9a: {  	s15 =	sadd.s32 $0x1, s15;
	[tilespmem:$0xA150] =	vst v9;
	v63 =	vmul.f32 v62, v61  }
0x9b: {  	p0 =	sne.s32 s15, s8;
	[tilespmem:$0xA160] =	vst v8  }
.Ltmp2:
0x9c: {  	[tilespmem:$0xA170] =	vst v63;
	(pc) =	sbr.rel @p0 .LBB2_1-.Ltmp2, $4  }
0x9d: {  	[hbm4b:s7+s3] =	stream.linear.scatter [tilespmem:s14], [sflag:$0x2], $0x80, $0x38;
	[tilespmem:$0xA180] =	vst v63  }
0x9e: {  	_ =	swait.ge [sflag:s9], $0x80  }
0x9f: {  	[sflag:s9] =	ssyncset.done $0x0  }
0xa0: {  	[sflag:s9] =	ssyncadd.s32 $0xFFFFFF80  }
0xa1: {  	_ =	sfence.sel $0x180000  }
0xa2: {  	[bflag:$0x0] =	sbarrier.arrive $0xFFFF  }
0xa3: {  	p0 =	sne.s32 s4, $0x0;
	_ =	strace $0x90000047  }
0xa4: {  	s0 =	sadd.s32 @!p0 $0x100000, s2;
	[bflag:$0x2] =	sbarrier.arrive $0xFFFF  }
0xa5: {  	[sflag:s0] =	ssyncadd.tile.s32 @!p0 $0x1;
	_ =	shalt  }
.Lfunc_end2:
_tile_overlayer_lowered:
.L_overlay_start_2:
0xa6: {  	(tag) =	ssettag $0x2  }
0xa7: {  	s0 =	rddreg [dreg:$0x0];
	s2 =	stileid.u32  }
0xa8: {  	s1 =	rddreg [dreg:$0x1];
	p0 =	sne.s32 s2, $0x0  }
0xa9: {  	s3 =	rddreg [dreg:$0x2];
	[bflag:$0x3] =	sbarrier.arrive $0xFFFF;
	s2 =	simm.s32 @!p0 $0x1C02  }
0xaa: {  	[timem:s3], [sflag:s2] =	dma.local @!p0 [hbm:s0], s1  }
0xab: {  	s0 =	simm.s32 @!p0 $0x2  }
0xac: {  	_ =	swait.ge @!p0 [sflag:s0], s1  }
0xad: {  	s1 =	ssub.s32 @!p0 $0x0, s1;
	[sflag:s0] =	ssyncset.done @!p0 $0x0  }
0xae: {  	[sflag:s0] =	ssyncadd.s32 @!p0 s1  }
0xaf: {  	[bflag:$0x3] =	sbarrier.arrive $0xFFFF  }
0xb0: {  	_ =	shalt  }

</sc_bundles>
